<compile_context>
chip_gen: v7x
topology: tpu7x:2x2x1
jax: 0.10.2.dev20260603
libtpu: 0.0.44.dev20260713+nightly
codegen_flags: <defaults>
</compile_context>

<pallas_src>
import functools

import jax
import jax.numpy as jnp
from jax import lax
from jax.experimental import pallas as pl
from jax.experimental.pallas import tpu as pltpu
from jax.experimental.pallas import tpu_sc as plsc

Q = 1024
D = 64
N = 100000
K = 4
BLK = 2560
NBLK = (N + BLK - 1) // BLK
NEG_INF = float("-inf")
IMAX = 0x7FFFFFFF


def _normalize_rows(x):
    n = jnp.sqrt(jnp.sum(x * x, axis=1, keepdims=True))
    return x / jnp.maximum(n, 1e-12)


def _top4_of(vals, idxs):
    out_v = []
    out_i = []
    v = vals
    for _ in range(K):
        m = jnp.max(v, axis=1, keepdims=True)
        sel = v == m
        im = jnp.min(jnp.where(sel, idxs, IMAX), axis=1, keepdims=True)
        out_v.append(m)
        out_i.append(im)
        v = jnp.where(sel & (idxs == im), NEG_INF, v)
    return jnp.concatenate(out_v, axis=1), jnp.concatenate(out_i, axis=1)


def _sim_topk_body(q_ref, m_ref, sim_ref, w_ref, i_ref, rv, ri):
    k = pl.program_id(0)

    qn = _normalize_rows(q_ref[...])
    mn = _normalize_rows(m_ref[...])
    sim = lax.dot_general(
        qn, mn, (((1,), (1,)), ((), ())), preferred_element_type=jnp.float32
    )
    sim_ref[...] = sim

    @pl.when(k == 0)
    def _init():
        rv[...] = jnp.full((Q, K), NEG_INF, jnp.float32)
        ri[...] = jnp.full((Q, K), IMAX, jnp.int32)

    gcol = k * BLK + lax.broadcasted_iota(jnp.int32, (Q, BLK), 1)

    def _fold(cand):
        bv, bi = _top4_of(cand, gcol)
        ev = jnp.concatenate([rv[...], bv], axis=1)
        ei = jnp.concatenate([ri[...], bi], axis=1)
        nv, ni = _top4_of(ev, ei)
        rv[...] = nv
        ri[...] = ni

    @pl.when(k < NBLK - 1)
    def _fold_full():
        _fold(sim)

    @pl.when(k == NBLK - 1)
    def _fold_tail():
        _fold(jnp.where(gcol < N, sim, NEG_INF))

    @pl.when(k == NBLK - 1)
    def _finish():
        v = rv[...]
        e = jnp.exp(v - v[:, 0:1])
        w_ref[...] = e / jnp.sum(e, axis=1, keepdims=True)
        i_ref[...] = ri[...]


def _sim_topk(current_feat, memory_bank):
    return pl.pallas_call(
        _sim_topk_body,
        grid=(NBLK,),
        in_specs=[
            pl.BlockSpec((Q, D), lambda k: (0, 0)),
            pl.BlockSpec((BLK, D), lambda k: (k, 0)),
        ],
        out_specs=[
            pl.BlockSpec((Q, BLK), lambda k: (0, k)),
            pl.BlockSpec((Q, K), lambda k: (0, 0)),
            pl.BlockSpec((Q, K), lambda k: (0, 0)),
        ],
        out_shape=[
            jax.ShapeDtypeStruct((Q, N), jnp.float32),
            jax.ShapeDtypeStruct((Q, K), jnp.float32),
            jax.ShapeDtypeStruct((Q, K), jnp.int32),
        ],
        scratch_shapes=[
            pltpu.VMEM((Q, K), jnp.float32),
            pltpu.VMEM((Q, K), jnp.int32),
        ],
        compiler_params=pltpu.CompilerParams(
            dimension_semantics=("arbitrary",)
        ),
    )(current_feat, memory_bank)


NW = 32
QPW = Q // NW
RPW = QPW * K


def _sc_combine_body(mem_hbm, idx_hbm, w_hbm, out_hbm, idx_v, w_v, rows_v,
                     out_v, sem):
    wid = lax.axis_index("s") * 2 + lax.axis_index("c")
    base = wid * RPW
    pltpu.sync_copy(idx_hbm.at[pl.ds(base, RPW)], idx_v)
    pltpu.sync_copy(w_hbm.at[pl.ds(base, RPW)], w_v)
    pltpu.async_copy(mem_hbm.at[idx_v], rows_v, sem).wait()

    def q_step(q, _):
        acc = [jnp.zeros((16,), jnp.float32) for _ in range(D // 16)]
        for i in range(K):
            r = q * K + i
            wvec = w_v[r, pl.ds(0, 16)]
            for c in range(D // 16):
                acc[c] = acc[c] + wvec * rows_v[r, pl.ds(c * 16, 16)]
        for c in range(D // 16):
            out_v[q, pl.ds(c * 16, 16)] = acc[c]
        return _

    lax.fori_loop(0, QPW, q_step, 0)
    pltpu.sync_copy(out_v, out_hbm.at[pl.ds(wid * QPW, QPW)])


@functools.partial(jax.jit, static_argnames=())
def _sc_combine(memory_bank, idx_flat, w_flat):
    return pl.kernel(
        _sc_combine_body,
        out_type=jax.ShapeDtypeStruct((Q, D), jnp.float32),
        mesh=plsc.VectorSubcoreMesh(core_axis_name="c", subcore_axis_name="s"),
        scratch_types=[
            pltpu.VMEM((RPW,), jnp.int32),
            pltpu.VMEM((RPW, 16), jnp.float32),
            pltpu.VMEM((RPW, D), jnp.float32),
            pltpu.VMEM((QPW, D), jnp.float32),
            pltpu.SemaphoreType.DMA,
        ],
        compiler_params=pltpu.CompilerParams(use_tc_tiling_on_sc=False),
    )(memory_bank, idx_flat, w_flat)


def kernel(current_feat, memory_bank):
    sim, wts, idx = _sim_topk(current_feat, memory_bank)
    w_exp = jnp.broadcast_to(wts.reshape(Q * K, 1), (Q * K, 16))
    selected = _sc_combine(memory_bank, idx.reshape(Q * K), w_exp)
    return (selected, sim)

# --- scband reference (transcript-rebuilt; emitter-appended) ---
"""Pipeline reference for scband-evolutionary-selector-8057358647653 (READ-ONLY COPY).

The authoritative reference and input builder live on the scoring server;
editing this copy changes nothing except your own understanding.
"""

import jax, jax.numpy as jnp
import numpy as np


def _normalize(x, eps=1e-12):
    n = jnp.linalg.norm(x, ord=2, axis=-1, keepdims=True)
    return x / jnp.maximum(n, eps)


def setup_inputs(seed: int = 0) -> dict:
    key = jax.random.key(seed)
    k1, k2 = jax.random.split(key)
    current_feat = jax.random.normal(k1, (1024, 64), dtype=jnp.float32)
    memory_bank = jax.random.normal(k2, (100000, 64), dtype=jnp.float32)
    return {"current_feat": current_feat, "memory_bank": memory_bank}


def reference(current_feat, memory_bank):
    # F.normalize(p=2, dim=-1) with eps=1e-12
    norm_feat = _normalize(current_feat)
    norm_mem = _normalize(memory_bank)
    # similarity: [Q, K]
    similarity = jnp.matmul(norm_feat, norm_mem.T)
    k = 4
    top_k_vals, top_k_idx = jax.lax.top_k(similarity, k)
    weights = jax.nn.softmax(top_k_vals, axis=-1)
    selected = jnp.zeros_like(current_feat)
    for i in range(k):
        selected = selected + weights[:, i][:, None] * memory_bank[top_k_idx[:, i]]
    # eval mode: no mutation noise added
    return (selected, similarity)

if __name__ == "__main__":
    import jax
    _d = setup_inputs()
    print(jax.jit(kernel)(*tuple(_d.values())))

</pallas_src>

<mosaic_0001>
#map = affine_map<(d0, d1) -> (0, 0)>
#map1 = affine_map<(d0, d1) -> (0)>
module attributes {stable_mosaic.version = 14 : i64} {
  func.func @_sc_combine_body(%arg0: i32, %arg1: i32, %arg2: memref<100000x64xf32, #tpu.memory_space<hbm>>, %arg3: memref<4096xi32, #tpu.memory_space<hbm>>, %arg4: memref<4096x16xf32, #tpu.memory_space<hbm>>, %arg5: memref<1024x64xf32, #tpu.memory_space<hbm>>, %arg6: memref<128xi32, #tpu.memory_space<vmem>>, %arg7: memref<128x16xf32, #tpu.memory_space<vmem>>, %arg8: memref<128x64xf32, #tpu.memory_space<vmem>>, %arg9: memref<32x64xf32, #tpu.memory_space<vmem>>, %arg10: memref<!tpu.dma_semaphore, #tpu.memory_space<semaphore_mem>>) attributes {dimension_semantics = [#tpu.dimension_semantics<core_parallel>, #tpu.dimension_semantics<subcore_parallel>], iteration_bounds = array<i64: 2, 16>, scalar_prefetch = 0 : i64, scratch_operands = 5 : i64, tpu.core_type = #tpu.core_type<sc_vector_subcore>, window_params = [{transform_indices = #map}, {transform_indices = #map1}, {transform_indices = #map}, {transform_indices = #map}]} {
    %mul3A = arith.constant 2 : i32
    %mul3A_0 = arith.muli %arg1, %mul3A : i32
    %add3A = arith.addi %mul3A_0, %arg0 : i32
    %mul3A_1 = arith.constant 128 : i32
    %mul3A_2 = arith.muli %add3A, %mul3A_1 : i32
    "tpu.region"() ({
      %run_scoped3A = tpu.sem_alloc : memref<!tpu.dma_semaphore, #tpu.memory_space<semaphore_mem>>
      %dma_start3A_14 = tpu.memref_slice %arg3[%mul3A_2] : memref<4096xi32, #tpu.memory_space<hbm>> -> memref<128xi32, #tpu.memory_space<hbm>>
      %dma_start3A_15 = tpu.memref_slice %arg3[%mul3A_2] : memref<4096xi32, #tpu.memory_space<hbm>> -> memref<128xi32, #tpu.memory_space<hbm>>
      tpu.enqueue_dma source(%dma_start3A_15 : memref<128xi32, #tpu.memory_space<hbm>>) target(%arg6 : memref<128xi32, #tpu.memory_space<vmem>>) target_semaphore(%run_scoped3A : memref<!tpu.dma_semaphore, #tpu.memory_space<semaphore_mem>>)
      %dma_wait3A_16 = tpu.memref_slice %arg3[%mul3A_2] : memref<4096xi32, #tpu.memory_space<hbm>> -> memref<128xi32, #tpu.memory_space<hbm>>
      %dma_wait3A_17 = tpu.memref_slice %arg3[%mul3A_2] : memref<4096xi32, #tpu.memory_space<hbm>> -> memref<128xi32, #tpu.memory_space<hbm>>
      tpu.wait_dma2 semaphore(%run_scoped3A : memref<!tpu.dma_semaphore, #tpu.memory_space<semaphore_mem>>) src(%dma_wait3A_17 : memref<128xi32, #tpu.memory_space<hbm>>) dst(%arg6 : memref<128xi32, #tpu.memory_space<vmem>>)
      tpu.yield
    }) : () -> ()
    "tpu.region"() ({
      %run_scoped3A = tpu.sem_alloc : memref<!tpu.dma_semaphore, #tpu.memory_space<semaphore_mem>>
      %dma_start3A_14 = arith.constant 0 : i32
      %dma_start3A_15 = tpu.memref_slice %arg4[%mul3A_2, %dma_start3A_14] : memref<4096x16xf32, #tpu.memory_space<hbm>> -> memref<128x16xf32, #tpu.memory_space<hbm>>
      %dma_start3A_16 = arith.constant 0 : i32
      %dma_start3A_17 = tpu.memref_slice %arg4[%mul3A_2, %dma_start3A_16] : memref<4096x16xf32, #tpu.memory_space<hbm>> -> memref<128x16xf32, #tpu.memory_space<hbm>>
      tpu.enqueue_dma source(%dma_start3A_17 : memref<128x16xf32, #tpu.memory_space<hbm>>) target(%arg7 : memref<128x16xf32, #tpu.memory_space<vmem>>) target_semaphore(%run_scoped3A : memref<!tpu.dma_semaphore, #tpu.memory_space<semaphore_mem>>)
      %dma_wait3A_18 = arith.constant 0 : i32
      %dma_wait3A_19 = tpu.memref_slice %arg4[%mul3A_2, %dma_wait3A_18] : memref<4096x16xf32, #tpu.memory_space<hbm>> -> memref<128x16xf32, #tpu.memory_space<hbm>>
      %dma_wait3A_20 = arith.constant 0 : i32
      %dma_wait3A_21 = tpu.memref_slice %arg4[%mul3A_2, %dma_wait3A_20] : memref<4096x16xf32, #tpu.memory_space<hbm>> -> memref<128x16xf32, #tpu.memory_space<hbm>>
      tpu.wait_dma2 semaphore(%run_scoped3A : memref<!tpu.dma_semaphore, #tpu.memory_space<semaphore_mem>>) src(%dma_wait3A_21 : memref<128x16xf32, #tpu.memory_space<hbm>>) dst(%arg7 : memref<128x16xf32, #tpu.memory_space<vmem>>)
      tpu.yield
    }) : () -> ()
    %dma_start3A = arith.constant 0 : i32
    %dma_start3A_3 = arith.constant 0 : i32
    %dma_start3A_4 = tpu.memref_slice %arg2[%dma_start3A, %dma_start3A_3] : memref<100000x64xf32, #tpu.memory_space<hbm>> -> memref<100000x64xf32, #tpu.memory_space<hbm>>
    tpu.enqueue_indirect_dma source(%dma_start3A_4 : memref<100000x64xf32, #tpu.memory_space<hbm>>) target(%arg8 : memref<128x64xf32, #tpu.memory_space<vmem>>) offsets(%arg6 : memref<128xi32, #tpu.memory_space<vmem>>) semaphore(%arg10 : memref<!tpu.dma_semaphore, #tpu.memory_space<semaphore_mem>>)
    %dma_wait3A = arith.constant 0 : i32
    %dma_wait3A_5 = arith.constant 0 : i32
    %dma_wait3A_6 = tpu.memref_slice %arg2[%dma_wait3A, %dma_wait3A_5] : memref<100000x64xf32, #tpu.memory_space<hbm>> -> memref<100000x64xf32, #tpu.memory_space<hbm>>
    tpu.wait_indirect_dma semaphore(%arg10 : memref<!tpu.dma_semaphore, #tpu.memory_space<semaphore_mem>>) src(%dma_wait3A_6 : memref<100000x64xf32, #tpu.memory_space<hbm>>) dst(%arg8 : memref<128x64xf32, #tpu.memory_space<vmem>>)
    %scan3A = arith.constant 0 : i32
    %scan3A_7 = arith.constant 0 : i32
    %scan3A_8 = arith.constant 32 : i32
    %scan3A_9 = arith.addi %scan3A_7, %scan3A_8 : i32
    %scan3A_10 = arith.constant 1 : i32
    scf.for %scan3A_14 = %scan3A_7 to %scan3A_9 step %scan3A_10  : i32 {
      %broadcast_in_dim3A = arith.constant 0.000000e+00 : f32
      %broadcast_in_dim3A_15 = vector.broadcast %broadcast_in_dim3A : f32 to vector<16xf32>
      %broadcast_in_dim3A_16 = arith.constant 0.000000e+00 : f32
      %broadcast_in_dim3A_17 = vector.broadcast %broadcast_in_dim3A_16 : f32 to vector<16xf32>
      %broadcast_in_dim3A_18 = arith.constant 0.000000e+00 : f32
      %broadcast_in_dim3A_19 = vector.broadcast %broadcast_in_dim3A_18 : f32 to vector<16xf32>
      %broadcast_in_dim3A_20 = arith.constant 0.000000e+00 : f32
      %broadcast_in_dim3A_21 = vector.broadcast %broadcast_in_dim3A_20 : f32 to vector<16xf32>
      %mul3A_22 = arith.constant 4 : i32
      %mul3A_23 = arith.muli %scan3A_14, %mul3A_22 : i32
      %add3A_24 = arith.constant 0 : i32
      %add3A_25 = arith.addi %mul3A_23, %add3A_24 : i32
      %get3A = arith.index_cast %add3A_25 : i32 to index
      %get3A_26 = arith.constant 0 : index
      %get3A_27 = tpu.vector_load %arg7[%get3A, %get3A_26] {strides = array<i32>} : memref<128x16xf32, #tpu.memory_space<vmem>>, vector<1x16xf32>,
      %get3A_28 = vector.shape_cast %get3A_27 : vector<1x16xf32> to vector<16xf32>
      %get3A_29 = arith.index_cast %add3A_25 : i32 to index
      %get3A_30 = arith.constant 0 : index
      %get3A_31 = tpu.vector_load %arg8[%get3A_29, %get3A_30] {strides = array<i32>} : memref<128x64xf32, #tpu.memory_space<vmem>>, vector<1x16xf32>,
      %get3A_32 = vector.shape_cast %get3A_31 : vector<1x16xf32> to vector<16xf32>
      %mul3A_33 = arith.mulf %get3A_28, %get3A_32 : vector<16xf32>
      %add3A_34 = arith.addf %broadcast_in_dim3A_15, %mul3A_33 : vector<16xf32>
      %get3A_35 = arith.index_cast %add3A_25 : i32 to index
      %get3A_36 = arith.constant 16 : index
      %get3A_37 = tpu.vector_load %arg8[%get3A_35, %get3A_36] {strides = array<i32>} : memref<128x64xf32, #tpu.memory_space<vmem>>, vector<1x16xf32>,
      %get3A_38 = vector.shape_cast %get3A_37 : vector<1x16xf32> to vector<16xf32>
      %mul3A_39 = arith.mulf %get3A_28, %get3A_38 : vector<16xf32>
      %add3A_40 = arith.addf %broadcast_in_dim3A_17, %mul3A_39 : vector<16xf32>
      %get3A_41 = arith.index_cast %add3A_25 : i32 to index
      %get3A_42 = arith.constant 32 : index
      %get3A_43 = tpu.vector_load %arg8[%get3A_41, %get3A_42] {strides = array<i32>} : memref<128x64xf32, #tpu.memory_space<vmem>>, vector<1x16xf32>,
      %get3A_44 = vector.shape_cast %get3A_43 : vector<1x16xf32> to vector<16xf32>
      %mul3A_45 = arith.mulf %get3A_28, %get3A_44 : vector<16xf32>
      %add3A_46 = arith.addf %broadcast_in_dim3A_19, %mul3A_45 : vector<16xf32>
      %get3A_47 = arith.index_cast %add3A_25 : i32 to index
      %get3A_48 = arith.constant 48 : index
      %get3A_49 = tpu.vector_load %arg8[%get3A_47, %get3A_48] {strides = array<i32>} : memref<128x64xf32, #tpu.memory_space<vmem>>, vector<1x16xf32>,
      %get3A_50 = vector.shape_cast %get3A_49 : vector<1x16xf32> to vector<16xf32>
      %mul3A_51 = arith.mulf %get3A_28, %get3A_50 : vector<16xf32>
      %add3A_52 = arith.addf %broadcast_in_dim3A_21, %mul3A_51 : vector<16xf32>
      %mul3A_53 = arith.constant 4 : i32
      %mul3A_54 = arith.muli %scan3A_14, %mul3A_53 : i32
      %add3A_55 = arith.constant 1 : i32
      %add3A_56 = arith.addi %mul3A_54, %add3A_55 : i32
      %get3A_57 = arith.index_cast %add3A_56 : i32 to index
      %get3A_58 = arith.constant 0 : index
      %get3A_59 = tpu.vector_load %arg7[%get3A_57, %get3A_58] {strides = array<i32>} : memref<128x16xf32, #tpu.memory_space<vmem>>, vector<1x16xf32>,
      %get3A_60 = vector.shape_cast %get3A_59 : vector<1x16xf32> to vector<16xf32>
      %get3A_61 = arith.index_cast %add3A_56 : i32 to index
      %get3A_62 = arith.constant 0 : index
      %get3A_63 = tpu.vector_load %arg8[%get3A_61, %get3A_62] {strides = array<i32>} : memref<128x64xf32, #tpu.memory_space<vmem>>, vector<1x16xf32>,
      %get3A_64 = vector.shape_cast %get3A_63 : vector<1x16xf32> to vector<16xf32>
      %mul3A_65 = arith.mulf %get3A_60, %get3A_64 : vector<16xf32>
      %add3A_66 = arith.addf %add3A_34, %mul3A_65 : vector<16xf32>
      %get3A_67 = arith.index_cast %add3A_56 : i32 to index
      %get3A_68 = arith.constant 16 : index
      %get3A_69 = tpu.vector_load %arg8[%get3A_67, %get3A_68] {strides = array<i32>} : memref<128x64xf32, #tpu.memory_space<vmem>>, vector<1x16xf32>,
      %get3A_70 = vector.shape_cast %get3A_69 : vector<1x16xf32> to vector<16xf32>
      %mul3A_71 = arith.mulf %get3A_60, %get3A_70 : vector<16xf32>
      %add3A_72 = arith.addf %add3A_40, %mul3A_71 : vector<16xf32>
      %get3A_73 = arith.index_cast %add3A_56 : i32 to index
      %get3A_74 = arith.constant 32 : index
      %get3A_75 = tpu.vector_load %arg8[%get3A_73, %get3A_74] {strides = array<i32>} : memref<128x64xf32, #tpu.memory_space<vmem>>, vector<1x16xf32>,
      %get3A_76 = vector.shape_cast %get3A_75 : vector<1x16xf32> to vector<16xf32>
      %mul3A_77 = arith.mulf %get3A_60, %get3A_76 : vector<16xf32>
      %add3A_78 = arith.addf %add3A_46, %mul3A_77 : vector<16xf32>
      %get3A_79 = arith.index_cast %add3A_56 : i32 to index
      %get3A_80 = arith.constant 48 : index
      %get3A_81 = tpu.vector_load %arg8[%get3A_79, %get3A_80] {strides = array<i32>} : memref<128x64xf32, #tpu.memory_space<vmem>>, vector<1x16xf32>,
      %get3A_82 = vector.shape_cast %get3A_81 : vector<1x16xf32> to vector<16xf32>
      %mul3A_83 = arith.mulf %get3A_60, %get3A_82 : vector<16xf32>
      %add3A_84 = arith.addf %add3A_52, %mul3A_83 : vector<16xf32>
      %mul3A_85 = arith.constant 4 : i32
      %mul3A_86 = arith.muli %scan3A_14, %mul3A_85 : i32
      %add3A_87 = arith.constant 2 : i32
      %add3A_88 = arith.addi %mul3A_86, %add3A_87 : i32
      %get3A_89 = arith.index_cast %add3A_88 : i32 to index
      %get3A_90 = arith.constant 0 : index
      %get3A_91 = tpu.vector_load %arg7[%get3A_89, %get3A_90] {strides = array<i32>} : memref<128x16xf32, #tpu.memory_space<vmem>>, vector<1x16xf32>,
      %get3A_92 = vector.shape_cast %get3A_91 : vector<1x16xf32> to vector<16xf32>
      %get3A_93 = arith.index_cast %add3A_88 : i32 to index
      %get3A_94 = arith.constant 0 : index
      %get3A_95 = tpu.vector_load %arg8[%get3A_93, %get3A_94] {strides = array<i32>} : memref<128x64xf32, #tpu.memory_space<vmem>>, vector<1x16xf32>,
      %get3A_96 = vector.shape_cast %get3A_95 : vector<1x16xf32> to vector<16xf32>
      %mul3A_97 = arith.mulf %get3A_92, %get3A_96 : vector<16xf32>
      %add3A_98 = arith.addf %add3A_66, %mul3A_97 : vector<16xf32>
      %get3A_99 = arith.index_cast %add3A_88 : i32 to index
      %get3A_100 = arith.constant 16 : index
      %get3A_101 = tpu.vector_load %arg8[%get3A_99, %get3A_100] {strides = array<i32>} : memref<128x64xf32, #tpu.memory_space<vmem>>, vector<1x16xf32>,
      %get3A_102 = vector.shape_cast %get3A_101 : vector<1x16xf32> to vector<16xf32>
      %mul3A_103 = arith.mulf %get3A_92, %get3A_102 : vector<16xf32>
      %add3A_104 = arith.addf %add3A_72, %mul3A_103 : vector<16xf32>
      %get3A_105 = arith.index_cast %add3A_88 : i32 to index
      %get3A_106 = arith.constant 32 : index
      %get3A_107 = tpu.vector_load %arg8[%get3A_105, %get3A_106] {strides = array<i32>} : memref<128x64xf32, #tpu.memory_space<vmem>>, vector<1x16xf32>,
      %get3A_108 = vector.shape_cast %get3A_107 : vector<1x16xf32> to vector<16xf32>
      %mul3A_109 = arith.mulf %get3A_92, %get3A_108 : vector<16xf32>
      %add3A_110 = arith.addf %add3A_78, %mul3A_109 : vector<16xf32>
      %get3A_111 = arith.index_cast %add3A_88 : i32 to index
      %get3A_112 = arith.constant 48 : index
      %get3A_113 = tpu.vector_load %arg8[%get3A_111, %get3A_112] {strides = array<i32>} : memref<128x64xf32, #tpu.memory_space<vmem>>, vector<1x16xf32>,
      %get3A_114 = vector.shape_cast %get3A_113 : vector<1x16xf32> to vector<16xf32>
      %mul3A_115 = arith.mulf %get3A_92, %get3A_114 : vector<16xf32>
      %add3A_116 = arith.addf %add3A_84, %mul3A_115 : vector<16xf32>
      %mul3A_117 = arith.constant 4 : i32
      %mul3A_118 = arith.muli %scan3A_14, %mul3A_117 : i32
      %add3A_119 = arith.constant 3 : i32
      %add3A_120 = arith.addi %mul3A_118, %add3A_119 : i32
      %get3A_121 = arith.index_cast %add3A_120 : i32 to index
      %get3A_122 = arith.constant 0 : index
      %get3A_123 = tpu.vector_load %arg7[%get3A_121, %get3A_122] {strides = array<i32>} : memref<128x16xf32, #tpu.memory_space<vmem>>, vector<1x16xf32>,
      %get3A_124 = vector.shape_cast %get3A_123 : vector<1x16xf32> to vector<16xf32>
      %get3A_125 = arith.index_cast %add3A_120 : i32 to index
      %get3A_126 = arith.constant 0 : index
      %get3A_127 = tpu.vector_load %arg8[%get3A_125, %get3A_126] {strides = array<i32>} : memref<128x64xf32, #tpu.memory_space<vmem>>, vector<1x16xf32>,
      %get3A_128 = vector.shape_cast %get3A_127 : vector<1x16xf32> to vector<16xf32>
      %mul3A_129 = arith.mulf %get3A_124, %get3A_128 : vector<16xf32>
      %add3A_130 = arith.addf %add3A_98, %mul3A_129 : vector<16xf32>
      %get3A_131 = arith.index_cast %add3A_120 : i32 to index
      %get3A_132 = arith.constant 16 : index
      %get3A_133 = tpu.vector_load %arg8[%get3A_131, %get3A_132] {strides = array<i32>} : memref<128x64xf32, #tpu.memory_space<vmem>>, vector<1x16xf32>,
      %get3A_134 = vector.shape_cast %get3A_133 : vector<1x16xf32> to vector<16xf32>
      %mul3A_135 = arith.mulf %get3A_124, %get3A_134 : vector<16xf32>
      %add3A_136 = arith.addf %add3A_104, %mul3A_135 : vector<16xf32>
      %get3A_137 = arith.index_cast %add3A_120 : i32 to index
      %get3A_138 = arith.constant 32 : index
      %get3A_139 = tpu.vector_load %arg8[%get3A_137, %get3A_138] {strides = array<i32>} : memref<128x64xf32, #tpu.memory_space<vmem>>, vector<1x16xf32>,
      %get3A_140 = vector.shape_cast %get3A_139 : vector<1x16xf32> to vector<16xf32>
      %mul3A_141 = arith.mulf %get3A_124, %get3A_140 : vector<16xf32>
      %add3A_142 = arith.addf %add3A_110, %mul3A_141 : vector<16xf32>
      %get3A_143 = arith.index_cast %add3A_120 : i32 to index
      %get3A_144 = arith.constant 48 : index
      %get3A_145 = tpu.vector_load %arg8[%get3A_143, %get3A_144] {strides = array<i32>} : memref<128x64xf32, #tpu.memory_space<vmem>>, vector<1x16xf32>,
      %get3A_146 = vector.shape_cast %get3A_145 : vector<1x16xf32> to vector<16xf32>
      %mul3A_147 = arith.mulf %get3A_124, %get3A_146 : vector<16xf32>
      %add3A_148 = arith.addf %add3A_116, %mul3A_147 : vector<16xf32>
      %swap3A = arith.index_cast %scan3A_14 : i32 to index
      %swap3A_149 = arith.constant 0 : index
      %swap3A_150 = tpu.vector_load %arg9[%swap3A, %swap3A_149] {strides = array<i32>} : memref<32x64xf32, #tpu.memory_space<vmem>>, vector<1x16xf32>,
      %swap3A_151 = vector.shape_cast %swap3A_150 : vector<1x16xf32> to vector<16xf32>
      %swap3A_152 = vector.shape_cast %add3A_130 : vector<16xf32> to vector<1x16xf32>
      tpu.vector_store %arg9[%swap3A, %swap3A_149], %swap3A_152 {strides = array<i32>} : memref<32x64xf32, #tpu.memory_space<vmem>>, vector<1x16xf32>,
      %swap3A_153 = arith.index_cast %scan3A_14 : i32 to index
      %swap3A_154 = arith.constant 16 : index
      %swap3A_155 = tpu.vector_load %arg9[%swap3A_153, %swap3A_154] {strides = array<i32>} : memref<32x64xf32, #tpu.memory_space<vmem>>, vector<1x16xf32>,
      %swap3A_156 = vector.shape_cast %swap3A_155 : vector<1x16xf32> to vector<16xf32>
      %swap3A_157 = vector.shape_cast %add3A_136 : vector<16xf32> to vector<1x16xf32>
      tpu.vector_store %arg9[%swap3A_153, %swap3A_154], %swap3A_157 {strides = array<i32>} : memref<32x64xf32, #tpu.memory_space<vmem>>, vector<1x16xf32>,
      %swap3A_158 = arith.index_cast %scan3A_14 : i32 to index
      %swap3A_159 = arith.constant 32 : index
      %swap3A_160 = tpu.vector_load %arg9[%swap3A_158, %swap3A_159] {strides = array<i32>} : memref<32x64xf32, #tpu.memory_space<vmem>>, vector<1x16xf32>,
      %swap3A_161 = vector.shape_cast %swap3A_160 : vector<1x16xf32> to vector<16xf32>
      %swap3A_162 = vector.shape_cast %add3A_142 : vector<16xf32> to vector<1x16xf32>
      tpu.vector_store %arg9[%swap3A_158, %swap3A_159], %swap3A_162 {strides = array<i32>} : memref<32x64xf32, #tpu.memory_space<vmem>>, vector<1x16xf32>,
      %swap3A_163 = arith.index_cast %scan3A_14 : i32 to index
      %swap3A_164 = arith.constant 48 : index
      %swap3A_165 = tpu.vector_load %arg9[%swap3A_163, %swap3A_164] {strides = array<i32>} : memref<32x64xf32, #tpu.memory_space<vmem>>, vector<1x16xf32>,
      %swap3A_166 = vector.shape_cast %swap3A_165 : vector<1x16xf32> to vector<16xf32>
      %swap3A_167 = vector.shape_cast %add3A_148 : vector<16xf32> to vector<1x16xf32>
      tpu.vector_store %arg9[%swap3A_163, %swap3A_164], %swap3A_167 {strides = array<i32>} : memref<32x64xf32, #tpu.memory_space<vmem>>, vector<1x16xf32>,
    }
    %scan3A_11 = arith.constant 32 : i32
    %mul3A_12 = arith.constant 32 : i32
    %mul3A_13 = arith.muli %add3A, %mul3A_12 : i32
    "tpu.region"() ({
      %run_scoped3A = tpu.sem_alloc : memref<!tpu.dma_semaphore, #tpu.memory_space<semaphore_mem>>
      %dma_start3A_14 = arith.constant 0 : i32
      %dma_start3A_15 = tpu.memref_slice %arg5[%mul3A_13, %dma_start3A_14] : memref<1024x64xf32, #tpu.memory_space<hbm>> -> memref<32x64xf32, #tpu.memory_space<hbm>>
      %dma_start3A_16 = arith.constant 0 : i32
      %dma_start3A_17 = tpu.memref_slice %arg5[%mul3A_13, %dma_start3A_16] : memref<1024x64xf32, #tpu.memory_space<hbm>> -> memref<32x64xf32, #tpu.memory_space<hbm>>
      tpu.enqueue_dma source(%arg9 : memref<32x64xf32, #tpu.memory_space<vmem>>) target(%dma_start3A_17 : memref<32x64xf32, #tpu.memory_space<hbm>>) target_semaphore(%run_scoped3A : memref<!tpu.dma_semaphore, #tpu.memory_space<semaphore_mem>>)
      %dma_wait3A_18 = arith.constant 0 : i32
      %dma_wait3A_19 = tpu.memref_slice %arg5[%mul3A_13, %dma_wait3A_18] : memref<1024x64xf32, #tpu.memory_space<hbm>> -> memref<32x64xf32, #tpu.memory_space<hbm>>
      %dma_wait3A_20 = arith.constant 0 : i32
      %dma_wait3A_21 = tpu.memref_slice %arg5[%mul3A_13, %dma_wait3A_20] : memref<1024x64xf32, #tpu.memory_space<hbm>> -> memref<32x64xf32, #tpu.memory_space<hbm>>
      tpu.wait_dma2 semaphore(%run_scoped3A : memref<!tpu.dma_semaphore, #tpu.memory_space<semaphore_mem>>) src(%arg9 : memref<32x64xf32, #tpu.memory_space<vmem>>) dst(%dma_wait3A_21 : memref<32x64xf32, #tpu.memory_space<hbm>>)
      tpu.yield
    }) : () -> ()
    return
  }
}

</mosaic_0001>

<sc_bundles>
// kernel: _sc_combine.3.cloned.1.call-start
scs
__scs_entry_jumppad:
0x0: {  	(pc) =	sbr.rel $0x88, $3  }
0x1: {  	(tag) =	ssettag $0x0;
	lr =	simm.s32 $0x1  }
0x2: {  	[smem:$0x3F9E] =	sst lr;
	_ =	strace $0xD0000000  }
0x3: {  	_ = 	snop  }
0x4: {  	_ = 	snop  }
0x5: {  	_ = 	snop  }
0x6: {  	_ = 	snop  }
0x7: {  	_ = 	snop  }
__scs_overlays_trampoline_lowered:
0x8: {  	[smem:$0x3FAD] =	sst s0  }
0x9: {  	[smem:$0x3FAE] =	sst s1  }
0xa: {  	[smem:$0x3FAF] =	sst s2  }
0xb: {  	[smem:$0x3FB0] =	sst s3  }
0xc: {  	[smem:$0x3FB1] =	sst s4  }
0xd: {  	[smem:$0x3FB2] =	sst s5  }
0xe: {  	[smem:$0x3FB3] =	sst s6  }
0xf: {  	[smem:$0x3FB4] =	sst s7  }
0x10: {  	[smem:$0x3FB5] =	sst s8  }
0x11: {  	[smem:$0x3FB6] =	sst s9;
	s0 =	simm.s32 @!p0 $0x0  }
0x12: {  	s1 =	sld [smem:$0x3F9C];
	s0 =	simm.s32 @p0 $0x1  }
0x13: {  	[smem:$0x3FB7] =	sst s0;
	s0 =	simm.s32 @!p1 $0x0  }
0x14: {  	s2 =	sld [smem:$0x3F9B];
	s0 =	simm.s32 @p1 $0x1  }
0x15: {  	[smem:$0x3FB8] =	sst s0;
	s0 =	simm.s32 @!p2 $0x0  }
0x16: {  	s3 =	sld [smem:$0x3FDB];
	s0 =	simm.s32 @p2 $0x1  }
0x17: {  	s4 =	simm.s32 $0x1BF5;
	[smem:$0x3FBA] =	sst s0  }
0x18: {  	s0 =	sld [smem:$0x3F9D];
	_ =	swait.ge [sflag:s4], $0x0  }
0x19: {  	s7 =	sld [smem:$0x3F9E]  }
0x1a: {  	s8 =	sadd.s32 $0xFFFFE003, lr  }
0x1b: {  	s9 =	sadd.s32 $0xFFFFFEF7, lr;
	s5 =	simm.s32 $0xFFFFFFFF;
	p2 =	slt.u32 s8, $0xFFFFF086  }
0x1c: {  	p1 =	slt.u32 s9, $0xF7A;
	s5 =	simm.s32 @!p2 $0x0  }
0x1d: {  	s5 =	simm.s32 @p1 $0x1;
	p0 =	seq.s32 s7, s2  }
0x1e: {  	s7 =	smul.u32 @!p0 $0xF7A, s2;
	p2 =	seq.s32 @!p0 s5, $0x0  }
0x1f: {  	s9 =	smul.u32 $0xF7A, s1;
	s8 =	simm.s32 @!p0 $0x1BF5;
	p2 =	por !p2, p0  }
0x20: {  	[sflag:s8] =	ssyncset.s32 @!p0 $0xFFFFF086;
	s6 =	sadd.s32 @!p0 s3, s7;
	s7 =	simm.s32 @!p0 $0x108  }
0x21: {  	s3 =	sadd.s32 s3, s9;
	s6 =	sadd.s32 @!p0 $0x88, s6;
	s7 =	simm.s32 @p2 $0x1082  }
0x22: {  	[simem:s7], [sflag:s8] =	dma.local @!p0 [hbm:s6], $0xF7A  }
0x23: {  	s9 =	sor.u32 $0xD0000000, s2;
	s6 =	simm.s32 $0x108;
	_ =	swait.ge @!p0 [sflag:s8], $0x0  }
0x24: {  	s3 =	sadd.s32 $0x88, s3;
	s6 =	simm.s32 @!p1 $0x1082;
	[sflag:s4] =	ssyncset.s32 $0xFFFFF086  }
0x25: {  	[simem:s6], [sflag:s4] =	dma.local [hbm:s3], $0xF7A  }
0x26: {  	[smem:$0x3F9E] =	sst s1;
	(tag) =	ssettag s2;
	_ =	strace s9  }
0x27: {  	s1 =	sld [smem:$0x3FAE]  }
0x28: {  	s2 =	sld [smem:$0x3FAF]  }
0x29: {  	s4 =	sld [smem:$0x3FB1]  }
0x2a: {  	p0 =	seq.s32 s5, $0x0;
	s5 =	sld [smem:$0x3FB2]  }
0x2b: {  	s6 =	sld [smem:$0x3FB3]  }
0x2c: {  	s7 =	sld [smem:$0x3FB4]  }
0x2d: {  	s3 =	simm.s32 $0x108;
	s8 =	sld [smem:$0x3FB5]  }
0x2e: {  	s3 =	simm.s32 @!p0 $0x1082;
	s9 =	sld [smem:$0x3FB6]  }
0x2f: {  	lr =	sadd.s32 s0, s3;
	s0 =	sld [smem:$0x3FAD]  }
0x30: {  	s3 =	sld [smem:$0x3FB0]  }
0x31: {  	[smem:$0x3FB9] =	sst s10  }
0x32: {  	s10 =	sld [smem:$0x3FB7];
	_ =	sdelay $0x3  }
0x33: {  	p0 =	seq.s32 s10, $0x1;
	s10 =	sld [smem:$0x3FB9];
	_ =	sdelay $0x3  }
0x34: {  	[smem:$0x3FB9] =	sst s10  }
0x35: {  	s10 =	sld [smem:$0x3FB8];
	_ =	sdelay $0x3  }
0x36: {  	p1 =	seq.s32 s10, $0x1;
	s10 =	sld [smem:$0x3FB9];
	_ =	sdelay $0x3  }
0x37: {  	[smem:$0x3FB9] =	sst s10  }
0x38: {  	s10 =	sld [smem:$0x3FBA]  }
0x39: {  	_ = 	snop;
	(pc) =	sbr.ind lr, $3  }
0x3a: {  	_ = 	snop  }
0x3b: {  	_ = 	snop  }
0x3c: {  	p2 =	seq.s32 s10, $0x1;
	s10 =	sld [smem:$0x3FB9]  }
0x3d: {  	_ =	shalt  }
0x3e: {  	_ =	shalt  }
0x3f: {  	_ =	shalt  }
0x40: {  	_ =	shalt  }
0x41: {  	_ =	shalt  }
0x42: {  	_ =	shalt  }
0x43: {  	_ =	shalt  }
0x44: {  	_ =	shalt  }
0x45: {  	_ =	shalt  }
0x46: {  	_ =	shalt  }
0x47: {  	_ =	shalt  }
0x48: {  	_ =	shalt  }
0x49: {  	_ =	shalt  }
0x4a: {  	_ =	shalt  }
0x4b: {  	_ =	shalt  }
0x4c: {  	_ =	shalt  }
0x4d: {  	_ =	shalt  }
0x4e: {  	_ =	shalt  }
0x4f: {  	_ =	shalt  }
0x50: {  	_ =	shalt  }
0x51: {  	_ =	shalt  }
0x52: {  	_ =	shalt  }
0x53: {  	_ =	shalt  }
0x54: {  	_ =	shalt  }
0x55: {  	_ =	shalt  }
0x56: {  	_ =	shalt  }
0x57: {  	_ =	shalt  }
0x58: {  	_ =	shalt  }
0x59: {  	_ =	shalt  }
0x5a: {  	_ =	shalt  }
0x5b: {  	_ =	shalt  }
0x5c: {  	_ =	shalt  }
0x5d: {  	_ =	shalt  }
0x5e: {  	_ =	shalt  }
0x5f: {  	_ =	shalt  }
0x60: {  	_ =	shalt  }
0x61: {  	_ =	shalt  }
0x62: {  	_ =	shalt  }
0x63: {  	_ =	shalt  }
0x64: {  	_ =	shalt  }
0x65: {  	_ =	shalt  }
0x66: {  	_ =	shalt  }
0x67: {  	_ =	shalt  }
0x68: {  	_ =	shalt  }
0x69: {  	_ =	shalt  }
0x6a: {  	_ =	shalt  }
0x6b: {  	_ =	shalt  }
0x6c: {  	_ =	shalt  }
0x6d: {  	_ =	shalt  }
0x6e: {  	_ =	shalt  }
0x6f: {  	_ =	shalt  }
0x70: {  	_ =	shalt  }
0x71: {  	_ =	shalt  }
0x72: {  	_ =	shalt  }
0x73: {  	_ =	shalt  }
0x74: {  	_ =	shalt  }
0x75: {  	_ =	shalt  }
0x76: {  	_ =	shalt  }
0x77: {  	_ =	shalt  }
0x78: {  	_ =	shalt  }
0x79: {  	_ =	shalt  }
0x7a: {  	_ =	shalt  }
0x7b: {  	_ =	shalt  }
0x7c: {  	_ =	shalt  }
0x7d: {  	_ =	shalt  }
0x7e: {  	_ =	shalt  }
0x7f: {  	_ =	shalt  }
0x80: {  	_ =	shalt  }
0x81: {  	_ =	shalt  }
0x82: {  	_ =	shalt  }
0x83: {  	_ =	shalt  }
0x84: {  	_ =	shalt  }
0x85: {  	_ =	shalt  }
0x86: {  	_ =	shalt  }
0x87: {  	_ =	shalt  }
.Lfunc_end0:
.L_simem_size_0:
called_computation_lowered:
.L_overlay_start_0:
0x88: {  	s2 =	sld [smem:$0x3FD9]  }
0x89: {  	s3 =	sld [smem:$0x3FFE];
	_ =	sdelay $0x1  }
0x8a: {  	s1 =	srdreg.scid  }
0x8b: {  	s0 =	sand.u32 $0x1, s1  }
0x8c: {  	s17 =	sshll.u32 s0, $0xA;
	s2 =	sadd.s32 s3, s2  }
0x8d: {  	s2 =	sadd.s32 s2, s17  }
0x8e: {  	[smem:$0x3FC5] =	sst s2  }
0x8f: {  	_ = 	snop  }
0x90: {  	s2 =	sld [smem:$0x3FC8]  }
0x91: {  	s18 =	sld [smem:$0x3FD0];
	(tm) =	ssettm $0x1  }
0x92: {  	s4 =	sld [smem:$0x3FFB];
	_ =	sdelay $0x3  }
0x93: {  	_ =	strace s4  }
0x94: {  	s4 =	sld [smem:$0x3FFC];
	_ =	sdelay $0x3  }
0x95: {  	_ =	strace s4  }
0x96: {  	s4 =	sld [smem:$0x3FFD];
	_ =	sdelay $0x3  }
0x97: {  	_ =	strace s4  }
0x98: {  	_ =	strace $0x8FFFFFFF  }
0x99: {  	s19 =	sld [smem:$0x3FDB];
	_ =	sdelay $0x1  }
0x9a: {  	s5 =	simm.s32 $_scs_section_size  }
0x9b: {  	s6 =	simm.s32 $_size__tile_overlayer_lowered;
	s7 =	simm.s32 $_tile_overlayer_lowered  }
0x9c: {  	s22 =	simm.s32 $0x1BFF;
	s21 =	sshll.u32 s7, $0x1;
	s4 =	sadd.s32 s5, s19  }
0x9d: {  	s8 =	simm.s32 $0x0;
	s20 =	sshll.u32 s6, $0x1;
	s6 =	sadd.s32 s21, s4  }
0x9e: {  	[timem:s8], [sflag:s22] =	dma.local [hbm:s6], s20  }
0x9f: {  	_ =	swait.ge [sflag:s22], s20  }
0xa0: {  	s5 =	ssub.s32 $0x0, s20;
	[sflag:s22] =	ssyncset.done $0x0  }
0xa1: {  	[sflag:s22] =	ssyncadd.s32 s5;
	_ =	sdelay $0x1  }
0xa2: {  	s23 =	simm.s32 $0x1B8B  }
0xa3: {  	_ =	swait.ge [sflag:s23], $0x1  }
0xa4: {  	[sflag:s23] =	ssyncset.done $0x0  }
0xa5: {  	s25 =	simm.s32 $0x1B8E;
	s24 =	sld [smem:$0x3FFE];
	[sflag:s23] =	ssyncadd.s32 $0xFFFFFFFF  }
0xa6: {  	s26 =	simm.s32 $execute0_lowered;
	[smem:$0x3FD2] =	sst s25  }
0xa7: {  	s6 =	sshll.u32 s26, $0x1;
	_ =	strace $0x80000046;
	[dreg:$0x1] =	wrdreg $0xFFFFFFFF  }
0xa8: {  	s28 =	simm.s32 $_size_execute0_lowered;
	s4 =	sadd.s32 s4, s6;
	[dreg:$0x0] =	wrdreg $0x0  }
0xa9: {  	s6 =	sshll.u32 s28, $0x1;
	[dreg:$0x2] =	wrdreg s4  }
0xaa: {  	[dreg:$0x3] =	wrdreg s6  }
0xab: {  	[dreg:$0x4] =	wrdreg $0xC0  }
0xac: {  	_ =	task [dreg:s8], $0x5FFFF  }
0xad: {  	[dreg:$0x1] =	wrdreg $0xFFFFFFFF  }
0xae: {  	[dreg:$0x0] =	wrdreg $0x60  }
0xaf: {  	[dreg:$0x2] =	wrdreg s24  }
0xb0: {  	[dreg:$0x3] =	wrdreg s2  }
0xb1: {  	[dreg:$0x4] =	wrdreg s18  }
0xb2: {  	[dreg:$0x5] =	wrdreg $0x9  }
0xb3: {  	_ =	task.clear_ibuf [dreg:s8], $0x6FFFF;
	_ =	strace $0x90000046  }
0xb4: {  	s29 =	simm.s32 $0x9;
	_ =	strace $0x80000048  }
0xb5: {  	_ =	swait.ge [sflag:s29], $0x1  }
0xb6: {  	[sflag:s29] =	ssyncadd.s32 $0xFFFFFFFF  }
0xb7: {  	_ =	strace $0x90000048  }
0xb8: {  	_ =	sfence  }
0xb9: {  	s30 =	sld [smem:$0x0];
	_ =	sdelay $0x2  }
0xba: {  	s31 =	sshll.u32 s1, $0xD;
	s1 =	sshrl.u32 s1, $0x2  }
0xbb: {  	s3 =	sand.u32 $0x4000, s31;
	s1 =	sadd.s32 s1, s30  }
0xbc: {  	s0 =	sor.u32 s3, s0;
	s1 =	sshll.u32 s1, $0x11  }
0xbd: {  	s0 =	sor.u32 s1, s0  }
0xbe: {  	s0 =	sadd.s32 $0x8F2B, s0  }
0xbf: {  	[sflag:s0] =	ssyncadd.remote.s32 $0x1  }
0xc0: {  	_ =	sfence.sel $0xFFFF  }
0xc1: {  	[dreg:$0x0] =	wrdreg $0xFFFFFFFF;
	(pc) =	sbr.abs _section_cstart, $3  }
0xc2: {  	[dreg:$0x1] =	wrdreg $0xFFFFFFFF  }
0xc3: {  	_ =	task.clear_ibuf [dreg:s8], $0x2FFFF;
	_ =	strace $0x9FFFFFFF  }
0xc4: {  	(tm) =	ssettm $0x7FFFFFFF  }
0xc5: {  	_ =	shalt  }
tec
execute0_lowered:
.L_overlay_start_1:
0x0: {  	(tag) =	ssettag $0x1  }
0x1: {  	s4 =	rddreg [dreg:$0x0]  }
0x2: {  	s5 =	rddreg [dreg:$0x1]  }
0x3: {  	s6 =	rddreg [dreg:$0x2]  }
0x4: {  	s0 =	rddreg [dreg:$0x3];
	s2 =	simm.s32 $0x0  }
0x5: {  	s3 =	srdreg.scid;
	s1 =	stileid.u32;
	s12 =	simm.s32 $0x2880  }
0x6: {  	s13 =	simm.s32 $0x0;
	s7 =	sand.u32 $0x1, s3;
	s8 =	sshll.u32 s1, $0x1  }
0x7: {  	[smem:$0x7FF] =	sst s2;
	s3 =	sadd.s32 $0x187000, s4;
	s8 =	sor.u32 s7, s8  }
0x8: {  	_ =	strace $0x80000047;
	s7 =	ssub.s32 $0x2, s7;
	s9 =	sshll.u32 s8, $0x8  }
0x9: {  	s10 =	sshrl.u32 s7, $0x1;
	s8 =	sshll.u32 s8, $0x4;
	s11 =	sadd.s32 s9, s4  }
0xa: {  	s7 =	ssub.s32 s7, s10;
	s4 =	sadd.s32 s5, s8;
	s5 =	sadd.s32 s6, s9  }
0xb: {  	s8 =	simm.s32 $0x2;
	s9 =	simm.s32 $0x80;
	s10 =	simm.s32 $0x880  }
0xc: {  	s6 =	sadd.s32 $0x600, s11;
	s7 =	smax.u32 s7, $0x1;
	s11 =	simm.s32 $0x1  }
.LBB2_1:
0xd: {  	[tilespmem:s2], [sflag:$0x2] =	stream.linear.gather [hbm4b:s4+s2], $0x80, $0x38;
	[tilespmem:$0x3080] =	vst v63  }
0xe: {  	_ =	swait.ge [sflag:s8], $0x80  }
0xf: {  	[sflag:s8] =	ssyncset.done $0x0  }
0x10: {  	[sflag:s8] =	ssyncadd.s32 $0xFFFFFF80  }
0x11: {  	[tilespmem:s9], [sflag:$0x2] =	stream.linear.gather [hbm4b:s5+s2], $0x800, $0x38;
	[tilespmem:$0x3080] =	vst v63  }
0x12: {  	_ =	swait.ge [sflag:s8], $0x800  }
0x13: {  	[sflag:s8] =	ssyncset.done $0x0  }
0x14: {  	[sflag:s8] =	ssyncadd.s32 $0xFFFFF800  }
0x15: {  	[tilespmem:s10], [sflag:$0x1] =	stream.indirect.gather [hbm4b:s3+s9], $0x40, s2, s9, $0xb8;
	[tilespmem:$0x3080] =	vst v63  }
0x16: {  	_ =	swait.ge [sflag:s11], $0x2000  }
0x17: {  	[sflag:s11] =	ssyncset.done $0x0  }
0x18: {  	s18 =	simm.s32 $0x0;
	[sflag:s11] =	ssyncadd.s32 $0xFFFFE000  }
0x19: {  	v0 =	vld [tilespmem:s18+$0xB0]  }
0x1a: {  	v4 =	vld [tilespmem:s18+$0x80]  }
0x1b: {  	s19 =	simm.s32 $0x900;
	v10 =	vld [tilespmem:s18+$0x90]  }
0x1c: {  	v3 =	vld [tilespmem:s19+$0xFFFFFFD0]  }
0x1d: {  	v5 =	vld [tilespmem:s19+$0xFFFFFFE0]  }
0x1e: {  	v7 =	vld [tilespmem:s19+$0xFFFFFFC0]  }
0x1f: {  	v6 =	vld [tilespmem:s19+$0xFFFFFFA0]  }
0x20: {  	v8 =	vld [tilespmem:s19+$0xFFFFFF90]  }
0x21: {  	v9 =	vld [tilespmem:s19+$0xFFFFFF80]  }
0x22: {  	v11 =	vld [tilespmem:s19+$0xFFFFFFB0]  }
0x23: {  	v14 =	vld [tilespmem:s19+$0xFFFFFFF0]  }
0x24: {  	v1 =	vld [tilespmem:s18+$0xA0]  }
0x25: {  	v12 =	vld [tilespmem:s19+$0x10];
	v6 =	vmul.f32 v6, v4;
	v13 =	vmul.f32 v5, v10  }
0x26: {  	v2 =	vld [tilespmem:s19+$0x50];
	v8 =	vmul.f32 v8, v4;
	v15 =	vmul.f32 v3, v10  }
0x27: {  	v5 =	vld [tilespmem:s19+$0x70];
	v9 =	vmul.f32 v9, v4;
	v3 =	vmul.f32 v7, v10  }
0x28: {  	v18 =	vmul.f32 v11, v4;
	v14 =	vmul.f32 v14, v10;
	v10 =	vld [tilespmem:s19+$0x60]  }
0x29: {  	v16 =	vadd.f32 $0.0e+00, v6;
	v6 =	vld [tilespmem:s19+$0x30];
	v17 =	vadd.f32 $0.0e+00, v8  }
0x2a: {  	s17 =	simm.s32 $0xA00;
	s16 =	simm.s32 $0x40;
	v11 =	vmul.f32 v12, v1;
	v8 =	vld [tilespmem:s19+$0x20];
	v7 =	vadd.f32 $0.0e+00, v9;
	v12 =	vadd.f32 $0.0e+00, v18  }
0x2b: {  	s20 =	simm.s32 $0x300;
	s15 =	simm.s32 $0xB00;
	s14 =	simm.s32 $0x80;
	v9 =	vld [tilespmem:s19+$0x0];
	v4 =	vadd.f32 v13, v16;
	v13 =	vadd.f32 v15, v17  }
.LBB2_2:
0x2c: {  	p0 =	sne.s32 s20, $0x1F00;
	s21 =	smov.u32 s20;
	s20 =	sadd.s32 $0x100, s20  }
0x2d: {  	v15 =	vld [tilespmem:s19+$0x40];
	v5 =	vmul.f32 v5, v0;
	s19 =	smov.u32 s17;
	s17 =	smov.u32 s15;
	s15 =	sadd.s32 $0x100, s15  }
0x2e: {  	v12 =	vadd.f32 v14, v12;
	v11 =	vadd.f32 v11, v13;
	v6 =	vmul.f32 v6, v1  }
0x2f: {  	v2 =	vmul.f32 v2, v0;
	v8 =	vmul.f32 v8, v1  }
0x30: {  	v3 =	vadd.f32 v3, v7;
	v1 =	vmul.f32 v9, v1;
	v6 =	vadd.f32 v6, v12  }
0x31: {  	v2 =	vadd.f32 v2, v11;
	v4 =	vadd.f32 v8, v4;
	v7 =	vmul.f32 v10, v0  }
0x32: {  	v3 =	vadd.f32 v1, v3;
	v8 =	vmul.f32 v15, v0;
	v5 =	vadd.f32 v5, v6  }
0x33: {  	v0 =	vld [tilespmem:s16+$0xB0];
	v4 =	vadd.f32 v7, v4;
	[tilespmem:s18+$0x2890] =	vst v2  }
0x34: {  	v1 =	vld [tilespmem:s16+$0xA0];
	v2 =	vadd.f32 v8, v3;
	[tilespmem:s18+$0x28B0] =	vst v5  }
0x35: {  	v7 =	vld [tilespmem:s16+$0x80];
	[tilespmem:s18+$0x28A0] =	vst v4  }
0x36: {  	v10 =	vld [tilespmem:s16+$0x90];
	[tilespmem:s18+$0x2880] =	vst v2;
	s18 =	smov.u32 s16;
	s16 =	smov.u32 s14;
	s14 =	sshra.s32 s21, $0x2  }
0x37: {  	v3 =	vld [tilespmem:s19+$0xFFFFFFD0]  }
0x38: {  	v2 =	vld [tilespmem:s19+$0x50]  }
0x39: {  	v4 =	vld [tilespmem:s19+$0xFFFFFFE0]  }
0x3a: {  	v6 =	vld [tilespmem:s19+$0xFFFFFFC0]  }
0x3b: {  	v5 =	vld [tilespmem:s19+$0xFFFFFFA0]  }
0x3c: {  	v8 =	vld [tilespmem:s19+$0xFFFFFF90]  }
0x3d: {  	v9 =	vld [tilespmem:s19+$0xFFFFFF80]  }
0x3e: {  	v11 =	vld [tilespmem:s19+$0xFFFFFFB0]  }
0x3f: {  	v4 =	vmul.f32 v4, v10;
	v12 =	vld [tilespmem:s19+$0x10]  }
0x40: {  	v13 =	vmul.f32 v5, v7;
	v14 =	vld [tilespmem:s19+$0xFFFFFFF0]  }
.Ltmp0:
0x41: {  	v15 =	vmul.f32 v3, v10;
	v8 =	vmul.f32 v8, v7;
	v5 =	vld [tilespmem:s19+$0x70];
	(pc) =	sbr.rel @p0 .LBB2_2-.Ltmp0, $4  }
0x42: {  	v3 =	vmul.f32 v6, v10;
	v9 =	vmul.f32 v9, v7;
	v13 =	vadd.f32 $0.0e+00, v13;
	v6 =	vld [tilespmem:s19+$0x30]  }
0x43: {  	v16 =	vadd.f32 $0.0e+00, v8;
	v17 =	vmul.f32 v11, v7;
	v8 =	vld [tilespmem:s19+$0x20]  }
0x44: {  	v7 =	vadd.f32 $0.0e+00, v9;
	v4 =	vadd.f32 v4, v13;
	v9 =	vld [tilespmem:s19+$0x0];
	v11 =	vmul.f32 v12, v1  }
0x45: {  	v12 =	vadd.f32 $0.0e+00, v17;
	v13 =	vadd.f32 v15, v16;
	v14 =	vmul.f32 v14, v10;
	v10 =	vld [tilespmem:s19+$0x60]  }
0x46: {  	v19 =	vld [tilespmem:s19+$0x40]  }
0x47: {  	v2 =	vmul.f32 v2, v0;
	v12 =	vadd.f32 v14, v12;
	v6 =	vmul.f32 v6, v1  }
0x48: {  	v5 =	vmul.f32 v5, v0;
	v11 =	vadd.f32 v11, v13;
	v8 =	vmul.f32 v8, v1  }
0x49: {  	v3 =	vadd.f32 v3, v7;
	v6 =	vadd.f32 v6, v12;
	v20 =	vmul.f32 v9, v1  }
0x4a: {  	v2 =	vadd.f32 v2, v11;
	v4 =	vadd.f32 v8, v4;
	v22 =	vmul.f32 v10, v0  }
0x4b: {  	v5 =	vadd.f32 v5, v6;
	v1 =	vadd.f32 v20, v3;
	v23 =	vmul.f32 v19, v0  }
0x4c: {  	v21 =	vld [tilespmem:s16+$0xB0];
	[tilespmem:s18+$0x2890] =	vst v2;
	v24 =	vadd.f32 v22, v4  }
0x4d: {  	v2 =	vld [tilespmem:s16+$0xA0];
	[tilespmem:s18+$0x28B0] =	vst v5;
	v0 =	vadd.f32 v23, v1  }
0x4e: {  	v25 =	vld [tilespmem:s16+$0x80];
	[tilespmem:s18+$0x28A0] =	vst v24  }
0x4f: {  	v26 =	vld [tilespmem:s16+$0x90];
	[tilespmem:s18+$0x2880] =	vst v0  }
0x50: {  	v0 =	vld [tilespmem:s17+$0xFFFFFFD0]  }
0x51: {  	v5 =	vld [tilespmem:s17+$0xFFFFFFE0]  }
0x52: {  	v27 =	vld [tilespmem:s17+$0xFFFFFFA0]  }
0x53: {  	v28 =	vld [tilespmem:s17+$0xFFFFFF90]  }
0x54: {  	v29 =	vld [tilespmem:s17+$0xFFFFFFB0]  }
0x55: {  	v30 =	vld [tilespmem:s17+$0xFFFFFF80]  }
0x56: {  	v31 =	vld [tilespmem:s17+$0xFFFFFFF0]  }
0x57: {  	v32 =	vld [tilespmem:s17+$0x10]  }
0x58: {  	v33 =	vld [tilespmem:s17+$0xFFFFFFC0]  }
0x59: {  	v34 =	vld [tilespmem:s17+$0x30]  }
0x5a: {  	v3 =	vld [tilespmem:s17+$0x50];
	v8 =	vmul.f32 v28, v25;
	v9 =	vmul.f32 v29, v25  }
0x5b: {  	v15 =	vld [tilespmem:s17+$0x70];
	v6 =	vmul.f32 v27, v25;
	v0 =	vmul.f32 v0, v26  }
0x5c: {  	v35 =	vld [tilespmem:s17+$0x20];
	v4 =	vmul.f32 v30, v25;
	v11 =	vmul.f32 v31, v26  }
0x5d: {  	v36 =	vld [tilespmem:s17+$0x0];
	v5 =	vmul.f32 v5, v26;
	v12 =	vmul.f32 v32, v2;
	v8 =	vadd.f32 $0.0e+00, v8  }
0x5e: {  	v37 =	vld [tilespmem:s17+$0x60];
	v1 =	vmul.f32 v33, v26;
	v38 =	vmul.f32 v34, v2;
	v9 =	vadd.f32 $0.0e+00, v9  }
0x5f: {  	v39 =	vld [tilespmem:s17+$0x40];
	v3 =	vmul.f32 v3, v21;
	v6 =	vadd.f32 $0.0e+00, v6;
	v0 =	vadd.f32 v0, v8  }
0x60: {  	v40 =	vmul.f32 v15, v21;
	v4 =	vadd.f32 $0.0e+00, v4;
	v9 =	vadd.f32 v11, v9  }
0x61: {  	v10 =	vmul.f32 v35, v2;
	v5 =	vadd.f32 v5, v6;
	v0 =	vadd.f32 v12, v0  }
0x62: {  	v2 =	vmul.f32 v36, v2;
	v1 =	vadd.f32 v1, v4;
	v9 =	vadd.f32 v38, v9  }
0x63: {  	v43 =	vmul.f32 v37, v21;
	v42 =	vadd.f32 v10, v5;
	v0 =	vadd.f32 v3, v0  }
0x64: {  	v45 =	vmul.f32 v39, v21;
	v1 =	vadd.f32 v2, v1;
	v44 =	vadd.f32 v40, v9  }
0x65: {  	v41 =	vld [tilespmem:s14+$0xB0];
	v4 =	vadd.f32 v43, v42;
	[tilespmem:s16+$0x2890] =	vst v0  }
0x66: {  	v1 =	vadd.f32 v45, v1;
	v0 =	vld [tilespmem:s14+$0xA0];
	[tilespmem:s16+$0x28B0] =	vst v44  }
0x67: {  	v46 =	vld [tilespmem:s14+$0x80];
	[tilespmem:s16+$0x28A0] =	vst v4  }
0x68: {  	v47 =	vld [tilespmem:s14+$0x90];
	[tilespmem:s16+$0x2880] =	vst v1  }
0x69: {  	v1 =	vld [tilespmem:s15+$0xFFFFFFD0]  }
0x6a: {  	v48 =	vld [tilespmem:s15+$0xFFFFFFE0]  }
0x6b: {  	v49 =	vld [tilespmem:s15+$0xFFFFFFC0]  }
0x6c: {  	v8 =	vld [tilespmem:s15+$0xFFFFFFA0]  }
0x6d: {  	v50 =	vld [tilespmem:s15+$0xFFFFFF90]  }
0x6e: {  	v51 =	vld [tilespmem:s15+$0xFFFFFF80]  }
0x6f: {  	v52 =	vld [tilespmem:s15+$0xFFFFFFB0]  }
0x70: {  	v53 =	vld [tilespmem:s15+$0x10]  }
0x71: {  	v54 =	vld [tilespmem:s15+$0xFFFFFFF0]  }
0x72: {  	v55 =	vld [tilespmem:s15+$0x70]  }
0x73: {  	v56 =	vld [tilespmem:s15+$0x30];
	v8 =	vmul.f32 v8, v46;
	v6 =	vmul.f32 v48, v47  }
0x74: {  	v57 =	vld [tilespmem:s15+$0x20];
	v9 =	vmul.f32 v50, v46;
	v10 =	vmul.f32 v51, v46  }
0x75: {  	v4 =	vld [tilespmem:s15+$0x50];
	v5 =	vmul.f32 v52, v46;
	v1 =	vmul.f32 v1, v47  }
0x76: {  	v58 =	vld [tilespmem:s15+$0x0];
	v7 =	vmul.f32 v49, v47;
	v2 =	vmul.f32 v54, v47;
	v9 =	vadd.f32 $0.0e+00, v9  }
0x77: {  	v59 =	vld [tilespmem:s15+$0x60];
	v12 =	vmul.f32 v53, v0;
	v14 =	vmul.f32 v55, v41;
	v5 =	vadd.f32 $0.0e+00, v5  }
0x78: {  	v60 =	vld [tilespmem:s15+$0x40];
	v61 =	vmul.f32 v56, v0;
	v8 =	vadd.f32 $0.0e+00, v8;
	v1 =	vadd.f32 v1, v9  }
0x79: {  	v11 =	vmul.f32 v57, v0;
	v10 =	vadd.f32 $0.0e+00, v10;
	v2 =	vadd.f32 v2, v5  }
0x7a: {  	v4 =	vmul.f32 v4, v41;
	v6 =	vadd.f32 v6, v8;
	v1 =	vadd.f32 v12, v1  }
0x7b: {  	v0 =	vmul.f32 v58, v0;
	v7 =	vadd.f32 v7, v10;
	v2 =	vadd.f32 v61, v2  }
0x7c: {  	v63 =	vmul.f32 v59, v41;
	v62 =	vadd.f32 v11, v6;
	v1 =	vadd.f32 v4, v1  }
0x7d: {  	v3 =	vmul.f32 v60, v41;
	v0 =	vadd.f32 v0, v7;
	v2 =	vadd.f32 v14, v2  }
0x7e: {  	v4 =	vadd.f32 v63, v62;
	[tilespmem:s14+$0x2890] =	vst v1  }
0x7f: {  	s13 =	sadd.s32 $0x1, s13;
	v0 =	vadd.f32 v3, v0;
	[tilespmem:s14+$0x28B0] =	vst v2  }
0x80: {  	p0 =	sne.s32 s13, s7;
	[tilespmem:s14+$0x28A0] =	vst v4  }
.Ltmp1:
0x81: {  	[tilespmem:s14+$0x2880] =	vst v0;
	(pc) =	sbr.rel @p0 .LBB2_1-.Ltmp1, $4  }
0x82: {  	[hbm4b:s6+s2] =	stream.linear.scatter [tilespmem:s12], [sflag:$0x2], $0x800, $0x38;
	[tilespmem:$0x3080] =	vst v63  }
0x83: {  	_ =	swait.ge [sflag:s8], $0x800  }
0x84: {  	[sflag:s8] =	ssyncset.done $0x0  }
0x85: {  	[sflag:s8] =	ssyncadd.s32 $0xFFFFF800  }
0x86: {  	_ =	sfence.sel $0x180000  }
0x87: {  	[bflag:$0x0] =	sbarrier.arrive $0xFFFF  }
0x88: {  	p0 =	sne.s32 s1, $0x0;
	_ =	strace $0x90000047  }
0x89: {  	s0 =	sadd.s32 @!p0 $0x100000, s0;
	[bflag:$0x2] =	sbarrier.arrive $0xFFFF  }
0x8a: {  	[sflag:s0] =	ssyncadd.tile.s32 @!p0 $0x1;
	_ =	shalt  }
.Lfunc_end2:
_tile_overlayer_lowered:
.L_overlay_start_2:
0x8b: {  	(tag) =	ssettag $0x2  }
0x8c: {  	s0 =	rddreg [dreg:$0x0];
	s2 =	stileid.u32  }
0x8d: {  	s1 =	rddreg [dreg:$0x1];
	p0 =	sne.s32 s2, $0x0  }
0x8e: {  	s3 =	rddreg [dreg:$0x2];
	[bflag:$0x3] =	sbarrier.arrive $0xFFFF;
	s2 =	simm.s32 @!p0 $0x1C02  }
0x8f: {  	[timem:s3], [sflag:s2] =	dma.local @!p0 [hbm:s0], s1  }
0x90: {  	s0 =	simm.s32 @!p0 $0x2  }
0x91: {  	_ =	swait.ge @!p0 [sflag:s0], s1  }
0x92: {  	s1 =	ssub.s32 @!p0 $0x0, s1;
	[sflag:s0] =	ssyncset.done @!p0 $0x0  }
0x93: {  	[sflag:s0] =	ssyncadd.s32 @!p0 s1  }
0x94: {  	[bflag:$0x3] =	sbarrier.arrive $0xFFFF  }
0x95: {  	_ =	shalt  }

</sc_bundles>
